<compile_context>
chip_gen: v7x
topology: tpu7x:2x2x1
jax: 0.10.2.dev20260603
libtpu: 0.0.44.dev20260713+nightly
codegen_flags: <defaults>
</compile_context>

<pallas_src>
import functools

import jax
import jax.numpy as jnp
from jax import lax
from jax.experimental import pallas as pl
from jax.experimental.pallas import tpu as pltpu
from jax.experimental.pallas import tpu_sc as plsc

E = 8
K = 2
B = 32
D = 4096
F = 2048

FB = 256
NF = F // FB

L = 16
NC = 2
NS = 16

_NEG = -1e30



def _sc_routing_body(lg_hbm, out_hbm, lv_ref, wv, sem):
    b = lax.axis_index("s") * NC + lax.axis_index("c")
    pltpu.sync_copy(lg_hbm.at[b], lv_ref)

    lane = lax.broadcasted_iota(jnp.int32, (L,), 0)
    lv = lv_ref[...]
    m1 = jnp.broadcast_to(jnp.max(lv, axis=0), (L,))
    i1 = jnp.broadcast_to(jnp.min(jnp.where(lv == m1, lane, L), axis=0), (L,))
    lv2 = jnp.where(lane == i1, _NEG, lv)
    m2 = jnp.broadcast_to(jnp.max(lv2, axis=0), (L,))
    i2 = jnp.broadcast_to(jnp.min(jnp.where(lv2 == m2, lane, L), axis=0), (L,))

    t = jnp.exp(m2 - m1)
    p1 = 1.0 / (1.0 + t)
    p2 = t / (1.0 + t)
    wv[...] = jnp.where(lane == i1, p1, 0.0) + jnp.where(lane == i2, p2, 0.0)
    pltpu.sync_copy(wv, out_hbm.at[b])


@functools.partial(
    pl.kernel,
    out_type=jax.ShapeDtypeStruct((B, L), jnp.float32),
    mesh=plsc.VectorSubcoreMesh(core_axis_name="c", subcore_axis_name="s"),
    compiler_params=pltpu.CompilerParams(needs_layout_passes=False),
    scratch_types=[
        pltpu.VMEM((L,), jnp.float32),
        pltpu.VMEM((L,), jnp.float32),
        pltpu.SemaphoreType.DMA,
    ],
)
def _sc_routing(lg_hbm, out_hbm, lv_ref, wv, sem):
    _sc_routing_body(lg_hbm, out_hbm, lv_ref, wv, sem)


def _gate_body(x_ref, gw_ref, out_ref):
    lg = jnp.dot(x_ref[...], gw_ref[...], preferred_element_type=jnp.float32)
    pad = jnp.full((B, L - E), _NEG, jnp.float32)
    out_ref[...] = jnp.concatenate([lg, pad], axis=1)


def _gate_tc(x, gate_w):
    return pl.pallas_call(
        _gate_body,
        out_shape=jax.ShapeDtypeStruct((B, L), jnp.float32),
    )(x, gate_w)



def _moe_body(x_ref, we_ref, w1_ref, w3_ref, w2_ref, out_ref, acc_ref):
    e = pl.program_id(0)
    f = pl.program_id(1)

    @pl.when((e == 0) & (f == 0))
    def _init():
        out_ref[...] = jnp.zeros_like(out_ref)

    @pl.when(f == 0)
    def _zero_acc():
        acc_ref[...] = jnp.zeros_like(acc_ref)

    x = x_ref[...].astype(jnp.bfloat16)
    w1b = w1_ref[0].astype(jnp.bfloat16)
    w3b = w3_ref[0].astype(jnp.bfloat16)
    a1 = jnp.dot(x, w1b, preferred_element_type=jnp.float32)
    a3 = jnp.dot(x, w3b, preferred_element_type=jnp.float32)
    h = (a1 / (1.0 + jnp.exp(-a1))) * a3
    acc_ref[...] += jnp.dot(h.astype(jnp.bfloat16),
                            w2_ref[0].astype(jnp.bfloat16),
                            preferred_element_type=jnp.float32)

    @pl.when(f == NF - 1)
    def _combine():
        eidx = lax.broadcasted_iota(jnp.int32, (B, L), 1)
        wcol = jnp.sum(jnp.where(eidx == e, we_ref[...], 0.0), axis=1,
                       keepdims=True)
        out_ref[...] += acc_ref[...] * wcol


def _moe_tc(x, we, w1, w3, w2):
    return pl.pallas_call(
        _moe_body,
        grid=(E, NF),
        in_specs=[
            pl.BlockSpec((B, D), lambda e, f: (0, 0)),
            pl.BlockSpec((B, L), lambda e, f: (0, 0)),
            pl.BlockSpec((1, D, FB), lambda e, f: (e, 0, f)),
            pl.BlockSpec((1, D, FB), lambda e, f: (e, 0, f)),
            pl.BlockSpec((1, FB, D), lambda e, f: (e, f, 0)),
        ],
        out_specs=pl.BlockSpec((B, D), lambda e, f: (0, 0)),
        out_shape=jax.ShapeDtypeStruct((B, D), jnp.float32),
        scratch_shapes=[
            pltpu.VMEM((B, D), jnp.float32),
        ],
        compiler_params=pltpu.CompilerParams(
            dimension_semantics=("arbitrary", "arbitrary"),
        ),
    )(x, we, w1, w3, w2)


@jax.jit
def kernel(x, gate_w, w1, w3, w2):
    logits = _gate_tc(x, gate_w)
    we = _sc_routing(logits)
    return _moe_tc(x, we, w1, w3, w2)

# --- scband reference (transcript-rebuilt; emitter-appended) ---
"""Pipeline reference for scband-tt-moe-layer-7172595384493 (READ-ONLY COPY).

The authoritative reference and input builder live on the scoring server;
editing this copy changes nothing except your own understanding.
"""

import jax, jax.numpy as jnp
import numpy as np

E = 8   # num experts (hardcoded 8 in ttnn module)
K = 2   # num_experts_per_tok (Mixtral top-2)
B = 32  # decode batch, hardcoded as 32 throughout the ttnn module
D = 4096  # d_model, hardcoded 4096
F = 2048  # expert MLP hidden dim (reduced from 14336 for CPU-exec feasibility)


def setup_inputs(seed: int = 0) -> dict:
    key = jax.random.key(seed)
    ks = jax.random.split(key, 5)
    x = jax.random.normal(ks[0], (B, D), dtype=jnp.float32)
    gate_w = jax.random.normal(ks[1], (D, E), dtype=jnp.float32) * 0.02
    w1 = jax.random.normal(ks[2], (E, D, F), dtype=jnp.float32) * 0.02
    w3 = jax.random.normal(ks[3], (E, D, F), dtype=jnp.float32) * 0.02
    w2 = jax.random.normal(ks[4], (E, F, D), dtype=jnp.float32) * 0.02
    return {"x": x, "gate_w": gate_w, "w1": w1, "w3": w3, "w2": w2}


def reference(x, gate_w, w1, w3, w2):
    # gate linear: [B, D] @ [D, E] -> [B, E]  (ttnn.linear with gates_H8)
    logits = x @ gate_w
    # top-2 routing (torch.topk path in the module)
    topw, sel = jax.lax.top_k(logits, K)            # [B, K]
    # softmax over the selected expert logits (ttnn.softmax(weights - max))
    topw = jax.nn.softmax(topw, axis=-1)            # [B, K]
    out = jnp.zeros((B, D), dtype=x.dtype)
    # loop over devices/experts: each device owns expert e, gathers the tokens
    # routed to it (ttnn.embedding gather by batch_ids), runs the expert MLP,
    # scales by the routing weight, and scatters results back (indexed_fill).
    for e in range(E):
        match = (sel == e)                          # [B, K]  (ttnn.eq with comp)
        we = jnp.sum(topw * match.astype(topw.dtype), axis=-1)  # [B]
        h = jax.nn.silu(x @ w1[e]) * (x @ w3[e])    # Mixtral SwiGLU expert MLP
        ye = (h @ w2[e]) * we[:, None]
        out = out + ye
    return out

if __name__ == "__main__":
    import jax
    _d = setup_inputs()
    print(jax.jit(kernel)(*tuple(_d.values())))

</pallas_src>

<mosaic_0001>
#map = affine_map<(d0, d1) -> (0, 0)>
module attributes {stable_mosaic.version = 14 : i64} {
  func.func @_sc_routing(%arg0: i32, %arg1: i32, %arg2: memref<32x16xf32, #tpu.memory_space<hbm>>, %arg3: memref<32x16xf32, #tpu.memory_space<hbm>>, %arg4: memref<16xf32, #tpu.memory_space<vmem>>, %arg5: memref<16xf32, #tpu.memory_space<vmem>>, %arg6: memref<!tpu.dma_semaphore, #tpu.memory_space<semaphore_mem>>) attributes {dimension_semantics = [#tpu.dimension_semantics<core_parallel>, #tpu.dimension_semantics<subcore_parallel>], iteration_bounds = array<i64: 2, 16>, scalar_prefetch = 0 : i64, scratch_operands = 3 : i64, tpu.core_type = #tpu.core_type<sc_vector_subcore>, window_params = [{transform_indices = #map}, {transform_indices = #map}]} {
    %mul3A = arith.constant 2 : i32
    %mul3A_0 = arith.muli %arg1, %mul3A : i32
    %add3A = arith.addi %mul3A_0, %arg0 : i32
    "tpu.region"() ({
      %run_scoped3A = tpu.sem_alloc : memref<!tpu.dma_semaphore, #tpu.memory_space<semaphore_mem>>
      %dma_start3A = arith.constant 0 : i32
      %dma_start3A_55 = tpu.memref_slice %arg2[%add3A, %dma_start3A] : memref<32x16xf32, #tpu.memory_space<hbm>> -> memref<1x16xf32, #tpu.memory_space<hbm>>
      %dma_start3A_56 = tpu.memref_squeeze %dma_start3A_55 : memref<1x16xf32, #tpu.memory_space<hbm>> -> memref<16xf32, #tpu.memory_space<hbm>>
      %dma_start3A_57 = arith.constant 0 : i32
      %dma_start3A_58 = tpu.memref_slice %arg2[%add3A, %dma_start3A_57] : memref<32x16xf32, #tpu.memory_space<hbm>> -> memref<1x16xf32, #tpu.memory_space<hbm>>
      %dma_start3A_59 = tpu.memref_squeeze %dma_start3A_58 : memref<1x16xf32, #tpu.memory_space<hbm>> -> memref<16xf32, #tpu.memory_space<hbm>>
      tpu.enqueue_dma source(%dma_start3A_59 : memref<16xf32, #tpu.memory_space<hbm>>) target(%arg4 : memref<16xf32, #tpu.memory_space<vmem>>) target_semaphore(%run_scoped3A : memref<!tpu.dma_semaphore, #tpu.memory_space<semaphore_mem>>)
      %dma_wait3A = arith.constant 0 : i32
      %dma_wait3A_60 = tpu.memref_slice %arg2[%add3A, %dma_wait3A] : memref<32x16xf32, #tpu.memory_space<hbm>> -> memref<1x16xf32, #tpu.memory_space<hbm>>
      %dma_wait3A_61 = tpu.memref_squeeze %dma_wait3A_60 : memref<1x16xf32, #tpu.memory_space<hbm>> -> memref<16xf32, #tpu.memory_space<hbm>>
      %dma_wait3A_62 = arith.constant 0 : i32
      %dma_wait3A_63 = tpu.memref_slice %arg2[%add3A, %dma_wait3A_62] : memref<32x16xf32, #tpu.memory_space<hbm>> -> memref<1x16xf32, #tpu.memory_space<hbm>>
      %dma_wait3A_64 = tpu.memref_squeeze %dma_wait3A_63 : memref<1x16xf32, #tpu.memory_space<hbm>> -> memref<16xf32, #tpu.memory_space<hbm>>
      tpu.wait_dma2 semaphore(%run_scoped3A : memref<!tpu.dma_semaphore, #tpu.memory_space<semaphore_mem>>) src(%dma_wait3A_64 : memref<16xf32, #tpu.memory_space<hbm>>) dst(%arg4 : memref<16xf32, #tpu.memory_space<vmem>>)
      tpu.yield
    }) : () -> ()
    %iota3A = tpu.iota {dimensions = array<i32: 0>} : vector<16xi32>
    %get3A = arith.constant 0 : index
    %get3A_1 = tpu.vector_load %arg4[%get3A] {strides = array<i32>} : memref<16xf32, #tpu.memory_space<vmem>>, vector<16xf32>,
    %reduce_max3A = arith.constant true
    %reduce_max3A_2 = vector.broadcast %reduce_max3A : i1 to vector<16xi1>
    %reduce_max3A_3 = tpu.scan <max>, %get3A_1 masked %reduce_max3A_2 : vector<16xf32>, vector<16xi1> -> vector<16xf32>
    %reduce_max3A_4 = vector.extract %reduce_max3A_3[15] : f32 from vector<16xf32>
    %broadcast_in_dim3A = vector.broadcast %reduce_max3A_4 : f32 to vector<16xf32>
    %eq3A = arith.cmpf oeq, %get3A_1, %broadcast_in_dim3A : vector<16xf32>
    %jit3A = arith.constant 16 : i32
    %broadcast_in_dim3A_5 = vector.broadcast %jit3A : i32 to vector<16xi32>
    %select_n3A = arith.select %eq3A, %iota3A, %broadcast_in_dim3A_5 : vector<16xi1>, vector<16xi32>
    %reduce_min3A = arith.constant true
    %reduce_min3A_6 = vector.broadcast %reduce_min3A : i1 to vector<16xi1>
    %reduce_min3A_7 = arith.constant -2147483648 : i32
    %reduce_min3A_8 = vector.broadcast %reduce_min3A_7 : i32 to vector<16xi32>
    %reduce_min3A_9 = arith.xori %select_n3A, %reduce_min3A_8 : vector<16xi32>
    %reduce_min3A_10 = tpu.scan <min>, %reduce_min3A_9 masked %reduce_min3A_6 : vector<16xi32>, vector<16xi1> -> vector<16xi32>
    %reduce_min3A_11 = arith.xori %reduce_min3A_10, %reduce_min3A_8 : vector<16xi32>
    %reduce_min3A_12 = vector.extract %reduce_min3A_11[15] : i32 from vector<16xi32>
    %broadcast_in_dim3A_13 = vector.broadcast %reduce_min3A_12 : i32 to vector<16xi32>
    %eq3A_14 = arith.cmpi eq, %iota3A, %broadcast_in_dim3A_13 : vector<16xi32>
    %jit3A_15 = arith.constant -1.000000e+30 : f32
    %broadcast_in_dim3A_16 = vector.broadcast %jit3A_15 : f32 to vector<16xf32>
    %select_n3A_17 = arith.select %eq3A_14, %broadcast_in_dim3A_16, %get3A_1 : vector<16xi1>, vector<16xf32>
    %reduce_max3A_18 = arith.constant true
    %reduce_max3A_19 = vector.broadcast %reduce_max3A_18 : i1 to vector<16xi1>
    %reduce_max3A_20 = tpu.scan <max>, %select_n3A_17 masked %reduce_max3A_19 : vector<16xf32>, vector<16xi1> -> vector<16xf32>
    %reduce_max3A_21 = vector.extract %reduce_max3A_20[15] : f32 from vector<16xf32>
    %broadcast_in_dim3A_22 = vector.broadcast %reduce_max3A_21 : f32 to vector<16xf32>
    %eq3A_23 = arith.cmpf oeq, %select_n3A_17, %broadcast_in_dim3A_22 : vector<16xf32>
    %jit3A_24 = arith.constant 16 : i32
    %broadcast_in_dim3A_25 = vector.broadcast %jit3A_24 : i32 to vector<16xi32>
    %select_n3A_26 = arith.select %eq3A_23, %iota3A, %broadcast_in_dim3A_25 : vector<16xi1>, vector<16xi32>
    %reduce_min3A_27 = arith.constant true
    %reduce_min3A_28 = vector.broadcast %reduce_min3A_27 : i1 to vector<16xi1>
    %reduce_min3A_29 = arith.constant -2147483648 : i32
    %reduce_min3A_30 = vector.broadcast %reduce_min3A_29 : i32 to vector<16xi32>
    %reduce_min3A_31 = arith.xori %select_n3A_26, %reduce_min3A_30 : vector<16xi32>
    %reduce_min3A_32 = tpu.scan <min>, %reduce_min3A_31 masked %reduce_min3A_28 : vector<16xi32>, vector<16xi1> -> vector<16xi32>
    %reduce_min3A_33 = arith.xori %reduce_min3A_32, %reduce_min3A_30 : vector<16xi32>
    %reduce_min3A_34 = vector.extract %reduce_min3A_33[15] : i32 from vector<16xi32>
    %broadcast_in_dim3A_35 = vector.broadcast %reduce_min3A_34 : i32 to vector<16xi32>
    %sub3A = arith.subf %broadcast_in_dim3A_22, %broadcast_in_dim3A : vector<16xf32>
    %exp3A = math.exp %sub3A : vector<16xf32>
    %add3A_36 = arith.constant 1.000000e+00 : f32
    %add3A_37 = vector.broadcast %add3A_36 : f32 to vector<16xf32>
    %add3A_38 = arith.addf %add3A_37, %exp3A : vector<16xf32>
    %div3A = arith.constant 1.000000e+00 : f32
    %div3A_39 = vector.broadcast %div3A : f32 to vector<16xf32>
    %div3A_40 = arith.divf %div3A_39, %add3A_38 : vector<16xf32>
    %add3A_41 = arith.constant 1.000000e+00 : f32
    %add3A_42 = vector.broadcast %add3A_41 : f32 to vector<16xf32>
    %add3A_43 = arith.addf %add3A_42, %exp3A : vector<16xf32>
    %div3A_44 = arith.divf %exp3A, %add3A_43 : vector<16xf32>
    %eq3A_45 = arith.cmpi eq, %iota3A, %broadcast_in_dim3A_13 : vector<16xi32>
    %jit3A_46 = arith.constant 0.000000e+00 : f32
    %broadcast_in_dim3A_47 = vector.broadcast %jit3A_46 : f32 to vector<16xf32>
    %select_n3A_48 = arith.select %eq3A_45, %div3A_40, %broadcast_in_dim3A_47 : vector<16xi1>, vector<16xf32>
    %eq3A_49 = arith.cmpi eq, %iota3A, %broadcast_in_dim3A_35 : vector<16xi32>
    %jit3A_50 = arith.constant 0.000000e+00 : f32
    %broadcast_in_dim3A_51 = vector.broadcast %jit3A_50 : f32 to vector<16xf32>
    %select_n3A_52 = arith.select %eq3A_49, %div3A_44, %broadcast_in_dim3A_51 : vector<16xi1>, vector<16xf32>
    %add3A_53 = arith.addf %select_n3A_48, %select_n3A_52 : vector<16xf32>
    %swap3A = arith.constant 0 : index
    %swap3A_54 = tpu.vector_load %arg5[%swap3A] {strides = array<i32>} : memref<16xf32, #tpu.memory_space<vmem>>, vector<16xf32>,
    tpu.vector_store %arg5[%swap3A], %add3A_53 {strides = array<i32>} : memref<16xf32, #tpu.memory_space<vmem>>, vector<16xf32>,
    "tpu.region"() ({
      %run_scoped3A = tpu.sem_alloc : memref<!tpu.dma_semaphore, #tpu.memory_space<semaphore_mem>>
      %dma_start3A = arith.constant 0 : i32
      %dma_start3A_55 = tpu.memref_slice %arg3[%add3A, %dma_start3A] : memref<32x16xf32, #tpu.memory_space<hbm>> -> memref<1x16xf32, #tpu.memory_space<hbm>>
      %dma_start3A_56 = tpu.memref_squeeze %dma_start3A_55 : memref<1x16xf32, #tpu.memory_space<hbm>> -> memref<16xf32, #tpu.memory_space<hbm>>
      %dma_start3A_57 = arith.constant 0 : i32
      %dma_start3A_58 = tpu.memref_slice %arg3[%add3A, %dma_start3A_57] : memref<32x16xf32, #tpu.memory_space<hbm>> -> memref<1x16xf32, #tpu.memory_space<hbm>>
      %dma_start3A_59 = tpu.memref_squeeze %dma_start3A_58 : memref<1x16xf32, #tpu.memory_space<hbm>> -> memref<16xf32, #tpu.memory_space<hbm>>
      tpu.enqueue_dma source(%arg5 : memref<16xf32, #tpu.memory_space<vmem>>) target(%dma_start3A_59 : memref<16xf32, #tpu.memory_space<hbm>>) target_semaphore(%run_scoped3A : memref<!tpu.dma_semaphore, #tpu.memory_space<semaphore_mem>>)
      %dma_wait3A = arith.constant 0 : i32
      %dma_wait3A_60 = tpu.memref_slice %arg3[%add3A, %dma_wait3A] : memref<32x16xf32, #tpu.memory_space<hbm>> -> memref<1x16xf32, #tpu.memory_space<hbm>>
      %dma_wait3A_61 = tpu.memref_squeeze %dma_wait3A_60 : memref<1x16xf32, #tpu.memory_space<hbm>> -> memref<16xf32, #tpu.memory_space<hbm>>
      %dma_wait3A_62 = arith.constant 0 : i32
      %dma_wait3A_63 = tpu.memref_slice %arg3[%add3A, %dma_wait3A_62] : memref<32x16xf32, #tpu.memory_space<hbm>> -> memref<1x16xf32, #tpu.memory_space<hbm>>
      %dma_wait3A_64 = tpu.memref_squeeze %dma_wait3A_63 : memref<1x16xf32, #tpu.memory_space<hbm>> -> memref<16xf32, #tpu.memory_space<hbm>>
      tpu.wait_dma2 semaphore(%run_scoped3A : memref<!tpu.dma_semaphore, #tpu.memory_space<semaphore_mem>>) src(%arg5 : memref<16xf32, #tpu.memory_space<vmem>>) dst(%dma_wait3A_64 : memref<16xf32, #tpu.memory_space<hbm>>)
      tpu.yield
    }) : () -> ()
    return
  }
}

module attributes {stable_mosaic.version = 14 : i64} {
  func.func @_gate_body(%arg0: memref<32x4096xf32, #tpu.memory_space<vmem>>, %arg1: memref<4096x8xf32, #tpu.memory_space<vmem>>, %arg2: memref<32x16xf32, #tpu.memory_space<vmem>>) attributes {dimension_semantics = [], scalar_prefetch = 0 : i64, scratch_operands = 0 : i64, tpu.core_type = #tpu.core_type<tc>} {
    %get3A = arith.constant 0 : index
    %get3A_0 = arith.constant 0 : index
    %get3A_1 = vector.load %arg0[%get3A, %get3A_0] : memref<32x4096xf32, #tpu.memory_space<vmem>>, vector<32x4096xf32>
    %get3A_2 = arith.constant 0 : index
    %get3A_3 = arith.constant 0 : index
    %get3A_4 = vector.load %arg1[%get3A_2, %get3A_3] : memref<4096x8xf32, #tpu.memory_space<vmem>>, vector<4096x8xf32>
    %dot_general3A = arith.constant dense<0.000000e+00> : vector<32x8xf32>
    %dot_general3A_5 = tpu.matmul %get3A_1, %get3A_4, %dot_general3A {dimension_numbers = #tpu.dot_dimension_numbers<[1], [0], [0], [1], [0, 0, 1, 1], [], []>, transpose_lhs_hint = false} : vector<32x4096xf32>, vector<4096x8xf32>, vector<32x8xf32> -> vector<32x8xf32>
    %broadcast_in_dim3A = arith.constant -1.000000e+30 : f32
    %broadcast_in_dim3A_6 = vector.broadcast %broadcast_in_dim3A : f32 to vector<32x8xf32>
    %concatenate3A = tpu.concatenate %dot_general3A_5, %broadcast_in_dim3A_6 in 1 : vector<32x8xf32>, vector<32x8xf32> -> vector<32x16xf32>
    %swap3A = arith.constant 0 : index
    %swap3A_7 = arith.constant 0 : index
    %swap3A_8 = vector.load %arg2[%swap3A, %swap3A_7] : memref<32x16xf32, #tpu.memory_space<vmem>>, vector<32x16xf32>
    tpu.vector_store %arg2[%swap3A, %swap3A_7], %concatenate3A {strides = array<i32>} : memref<32x16xf32, #tpu.memory_space<vmem>>, vector<32x16xf32>,
    return
  }
}

module attributes {stable_mosaic.version = 14 : i64} {
  func.func @_moe_body(%arg0: i32, %arg1: i32, %arg2: memref<32x4096xf32, #tpu.memory_space<vmem>>, %arg3: memref<32x16xf32, #tpu.memory_space<vmem>>, %arg4: memref<1x4096x256xf32, #tpu.memory_space<vmem>>, %arg5: memref<1x4096x256xf32, #tpu.memory_space<vmem>>, %arg6: memref<1x256x4096xf32, #tpu.memory_space<vmem>>, %arg7: memref<32x4096xf32, #tpu.memory_space<vmem>>, %arg8: memref<32x4096xf32, #tpu.memory_space<vmem>>) attributes {dimension_semantics = [#tpu.dimension_semantics<arbitrary>, #tpu.dimension_semantics<arbitrary>], iteration_bounds = array<i64: 8, 8>, scalar_prefetch = 0 : i64, scratch_operands = 1 : i64, tpu.core_type = #tpu.core_type<tc>, window_params = [{pipeline_mode = #tpu.pipeline_mode<synchronous>, transform_indices = @transform_0, window_bounds = array<i64: 32, 4096>}, {pipeline_mode = #tpu.pipeline_mode<synchronous>, transform_indices = @transform_1, window_bounds = array<i64: 32, 16>}, {transform_indices = @transform_2, window_bounds = array<i64: 1, 4096, 256>}, {transform_indices = @transform_3, window_bounds = array<i64: 1, 4096, 256>}, {transform_indices = @transform_4, window_bounds = array<i64: 1, 256, 4096>}, {pipeline_mode = #tpu.pipeline_mode<synchronous>, transform_indices = @transform_5, window_bounds = array<i64: 32, 4096>}]} {
    %eq3A = arith.constant 0 : i32
    %eq3A_0 = arith.cmpi eq, %arg0, %eq3A : i32
    %eq3A_1 = arith.constant 0 : i32
    %eq3A_2 = arith.cmpi eq, %arg1, %eq3A_1 : i32
    %and3A = arith.andi %eq3A_0, %eq3A_2 : i1
    %convert_element_type3A = arith.extui %and3A : i1 to i32
    %cond3A = arith.constant 0 : i32
    %cond3A_3 = arith.cmpi ne, %convert_element_type3A, %cond3A : i32
    scf.if %cond3A_3 {
      %broadcast_in_dim3A = arith.constant 0.000000e+00 : f32
      %broadcast_in_dim3A_51 = vector.broadcast %broadcast_in_dim3A : f32 to vector<32x4096xf32>
      %swap3A_52 = arith.constant 0 : index
      %swap3A_53 = arith.constant 0 : index
      %swap3A_54 = vector.load %arg7[%swap3A_52, %swap3A_53] : memref<32x4096xf32, #tpu.memory_space<vmem>>, vector<32x4096xf32>
      tpu.vector_store %arg7[%swap3A_52, %swap3A_53], %broadcast_in_dim3A_51 {strides = array<i32>} : memref<32x4096xf32, #tpu.memory_space<vmem>>, vector<32x4096xf32>,
    } else {
    }
    %eq3A_4 = arith.constant 0 : i32
    %eq3A_5 = arith.cmpi eq, %arg1, %eq3A_4 : i32
    %convert_element_type3A_6 = arith.extui %eq3A_5 : i1 to i32
    %cond3A_7 = arith.constant 0 : i32
    %cond3A_8 = arith.cmpi ne, %convert_element_type3A_6, %cond3A_7 : i32
    scf.if %cond3A_8 {
      %broadcast_in_dim3A = arith.constant 0.000000e+00 : f32
      %broadcast_in_dim3A_51 = vector.broadcast %broadcast_in_dim3A : f32 to vector<32x4096xf32>
      %swap3A_52 = arith.constant 0 : index
      %swap3A_53 = arith.constant 0 : index
      %swap3A_54 = vector.load %arg8[%swap3A_52, %swap3A_53] : memref<32x4096xf32, #tpu.memory_space<vmem>>, vector<32x4096xf32>
      tpu.vector_store %arg8[%swap3A_52, %swap3A_53], %broadcast_in_dim3A_51 {strides = array<i32>} : memref<32x4096xf32, #tpu.memory_space<vmem>>, vector<32x4096xf32>,
    } else {
    }
    %get3A = arith.constant 0 : index
    %get3A_9 = arith.constant 0 : index
    %get3A_10 = vector.load %arg2[%get3A, %get3A_9] : memref<32x4096xf32, #tpu.memory_space<vmem>>, vector<32x4096xf32>
    %convert_element_type3A_11 = arith.truncf %get3A_10 : vector<32x4096xf32> to vector<32x4096xbf16>
    %get3A_12 = arith.constant 0 : index
    %get3A_13 = arith.constant 0 : index
    %get3A_14 = arith.constant 0 : index
    %get3A_15 = vector.load %arg4[%get3A_12, %get3A_13, %get3A_14] : memref<1x4096x256xf32, #tpu.memory_space<vmem>>, vector<1x4096x256xf32>
    %get3A_16 = vector.shape_cast %get3A_15 : vector<1x4096x256xf32> to vector<4096x256xf32>
    %convert_element_type3A_17 = arith.truncf %get3A_16 : vector<4096x256xf32> to vector<4096x256xbf16>
    %get3A_18 = arith.constant 0 : index
    %get3A_19 = arith.constant 0 : index
    %get3A_20 = arith.constant 0 : index
    %get3A_21 = vector.load %arg5[%get3A_18, %get3A_19, %get3A_20] : memref<1x4096x256xf32, #tpu.memory_space<vmem>>, vector<1x4096x256xf32>
    %get3A_22 = vector.shape_cast %get3A_21 : vector<1x4096x256xf32> to vector<4096x256xf32>
    %convert_element_type3A_23 = arith.truncf %get3A_22 : vector<4096x256xf32> to vector<4096x256xbf16>
    %dot_general3A = arith.constant dense<0.000000e+00> : vector<32x256xf32>
    %dot_general3A_24 = tpu.matmul %convert_element_type3A_11, %convert_element_type3A_17, %dot_general3A {dimension_numbers = #tpu.dot_dimension_numbers<[1], [0], [0], [1], [0, 0, 1, 1], [], []>, transpose_lhs_hint = false} : vector<32x4096xbf16>, vector<4096x256xbf16>, vector<32x256xf32> -> vector<32x256xf32>
    %dot_general3A_25 = arith.constant dense<0.000000e+00> : vector<32x256xf32>
    %dot_general3A_26 = tpu.matmul %convert_element_type3A_11, %convert_element_type3A_23, %dot_general3A_25 {dimension_numbers = #tpu.dot_dimension_numbers<[1], [0], [0], [1], [0, 0, 1, 1], [], []>, transpose_lhs_hint = false} : vector<32x4096xbf16>, vector<4096x256xbf16>, vector<32x256xf32> -> vector<32x256xf32>
    %neg3A = arith.constant 0.000000e+00 : f32
    %neg3A_27 = vector.broadcast %neg3A : f32 to vector<32x256xf32>
    %neg3A_28 = arith.subf %neg3A_27, %dot_general3A_24 : vector<32x256xf32>
    %exp3A = math.exp %neg3A_28 : vector<32x256xf32>
    %add3A = arith.constant 1.000000e+00 : f32
    %add3A_29 = vector.broadcast %add3A : f32 to vector<32x256xf32>
    %add3A_30 = arith.addf %add3A_29, %exp3A : vector<32x256xf32>
    %div3A = arith.divf %dot_general3A_24, %add3A_30 : vector<32x256xf32>
    %mul3A = arith.mulf %div3A, %dot_general3A_26 : vector<32x256xf32>
    %get3A_31 = arith.constant 0 : index
    %get3A_32 = arith.constant 0 : index
    %get3A_33 = vector.load %arg8[%get3A_31, %get3A_32] : memref<32x4096xf32, #tpu.memory_space<vmem>>, vector<32x4096xf32>
    %convert_element_type3A_34 = arith.truncf %mul3A : vector<32x256xf32> to vector<32x256xbf16>
    %get3A_35 = arith.constant 0 : index
    %get3A_36 = arith.constant 0 : index
    %get3A_37 = arith.constant 0 : index
    %get3A_38 = vector.load %arg6[%get3A_35, %get3A_36, %get3A_37] : memref<1x256x4096xf32, #tpu.memory_space<vmem>>, vector<1x256x4096xf32>
    %get3A_39 = vector.shape_cast %get3A_38 : vector<1x256x4096xf32> to vector<256x4096xf32>
    %convert_element_type3A_40 = arith.truncf %get3A_39 : vector<256x4096xf32> to vector<256x4096xbf16>
    %dot_general3A_41 = arith.constant dense<0.000000e+00> : vector<32x4096xf32>
    %dot_general3A_42 = tpu.matmul %convert_element_type3A_34, %convert_element_type3A_40, %dot_general3A_41 {dimension_numbers = #tpu.dot_dimension_numbers<[1], [0], [0], [1], [0, 0, 1, 1], [], []>, transpose_lhs_hint = false} : vector<32x256xbf16>, vector<256x4096xbf16>, vector<32x4096xf32> -> vector<32x4096xf32>
    %add3A_43 = arith.addf %get3A_33, %dot_general3A_42 : vector<32x4096xf32>
    %swap3A = arith.constant 0 : index
    %swap3A_44 = arith.constant 0 : index
    %swap3A_45 = vector.load %arg8[%swap3A, %swap3A_44] : memref<32x4096xf32, #tpu.memory_space<vmem>>, vector<32x4096xf32>
    tpu.vector_store %arg8[%swap3A, %swap3A_44], %add3A_43 {strides = array<i32>} : memref<32x4096xf32, #tpu.memory_space<vmem>>, vector<32x4096xf32>,
    %eq3A_46 = arith.constant 7 : i32
    %eq3A_47 = arith.cmpi eq, %arg1, %eq3A_46 : i32
    %convert_element_type3A_48 = arith.extui %eq3A_47 : i1 to i32
    %cond3A_49 = arith.constant 0 : i32
    %cond3A_50 = arith.cmpi ne, %convert_element_type3A_48, %cond3A_49 : i32
    scf.if %cond3A_50 {
      %iota3A = tpu.iota {dimensions = array<i32: 1>} : vector<32x16xi32>
      %eq3A_51 = vector.broadcast %arg0 : i32 to vector<32x16xi32>
      %eq3A_52 = arith.cmpi eq, %iota3A, %eq3A_51 : vector<32x16xi32>
      %get3A_53 = arith.constant 0 : index
      %get3A_54 = arith.constant 0 : index
      %get3A_55 = vector.load %arg3[%get3A_53, %get3A_54] : memref<32x16xf32, #tpu.memory_space<vmem>>, vector<32x16xf32>
      %jit3A = arith.constant 0.000000e+00 : f32
      %broadcast_in_dim3A = vector.broadcast %jit3A : f32 to vector<32x16xf32>
      %select_n3A = arith.select %eq3A_52, %get3A_55, %broadcast_in_dim3A : vector<32x16xi1>, vector<32x16xf32>
      %reduce_sum3A = arith.constant dense<0.000000e+00> : vector<32xf32>
      %reduce_sum3A_56 = vector.multi_reduction <add>, %select_n3A, %reduce_sum3A [1] : vector<32x16xf32> to vector<32xf32>
      %broadcast_in_dim3A_57 = vector.shape_cast %reduce_sum3A_56 : vector<32xf32> to vector<32x1xf32>
      %get3A_58 = arith.constant 0 : index
      %get3A_59 = arith.constant 0 : index
      %get3A_60 = vector.load %arg7[%get3A_58, %get3A_59] : memref<32x4096xf32, #tpu.memory_space<vmem>>, vector<32x4096xf32>
      %get3A_61 = arith.constant 0 : index
      %get3A_62 = arith.constant 0 : index
      %get3A_63 = vector.load %arg8[%get3A_61, %get3A_62] : memref<32x4096xf32, #tpu.memory_space<vmem>>, vector<32x4096xf32>
      %mul3A_64 = vector.broadcast %broadcast_in_dim3A_57 : vector<32x1xf32> to vector<32x4096xf32>
      %mul3A_65 = arith.mulf %get3A_63, %mul3A_64 : vector<32x4096xf32>
      %add3A_66 = arith.addf %get3A_60, %mul3A_65 : vector<32x4096xf32>
      %swap3A_67 = arith.constant 0 : index
      %swap3A_68 = arith.constant 0 : index
      %swap3A_69 = vector.load %arg7[%swap3A_67, %swap3A_68] : memref<32x4096xf32, #tpu.memory_space<vmem>>, vector<32x4096xf32>
      tpu.vector_store %arg7[%swap3A_67, %swap3A_68], %add3A_66 {strides = array<i32>} : memref<32x4096xf32, #tpu.memory_space<vmem>>, vector<32x4096xf32>,
    } else {
    }
    return
  }
  func.func @transform_0(%arg0: i32, %arg1: i32) -> (i32, i32) {
    %c0_i32 = arith.constant 0 : i32
    %c0_i32_0 = arith.constant 0 : i32
    %c0_i32_1 = arith.constant 0 : i32
    return %c0_i32, %c0_i32_0 : i32, i32
  }
  func.func @transform_1(%arg0: i32, %arg1: i32) -> (i32, i32) {
    %c0_i32 = arith.constant 0 : i32
    %c0_i32_0 = arith.constant 0 : i32
    %c0_i32_1 = arith.constant 0 : i32
    return %c0_i32, %c0_i32_0 : i32, i32
  }
  func.func @transform_2(%arg0: i32, %arg1: i32) -> (i32, i32, i32) {
    %c0_i32 = arith.constant 0 : i32
    %c0_i32_0 = arith.constant 0 : i32
    return %arg0, %c0_i32, %arg1 : i32, i32, i32
  }
  func.func @transform_3(%arg0: i32, %arg1: i32) -> (i32, i32, i32) {
    %c0_i32 = arith.constant 0 : i32
    %c0_i32_0 = arith.constant 0 : i32
    return %arg0, %c0_i32, %arg1 : i32, i32, i32
  }
  func.func @transform_4(%arg0: i32, %arg1: i32) -> (i32, i32, i32) {
    %c0_i32 = arith.constant 0 : i32
    %c0_i32_0 = arith.constant 0 : i32
    return %arg0, %arg1, %c0_i32 : i32, i32, i32
  }
  func.func @transform_5(%arg0: i32, %arg1: i32) -> (i32, i32) {
    %c0_i32 = arith.constant 0 : i32
    %c0_i32_0 = arith.constant 0 : i32
    %c0_i32_1 = arith.constant 0 : i32
    return %c0_i32, %c0_i32_0 : i32, i32
  }
}

</mosaic_0001>

<sc_bundles>
// kernel: kernel.5.cloned.1.call-start
scs
__scs_entry_jumppad:
0x0: {  	(pc) =	sbr.rel $0x88, $3  }
0x1: {  	(tag) =	ssettag $0x0;
	lr =	simm.s32 $0x1  }
0x2: {  	[smem:$0x3F9C] =	sst lr;
	_ =	strace $0xD0000000  }
0x3: {  	_ = 	snop  }
0x4: {  	_ = 	snop  }
0x5: {  	_ = 	snop  }
0x6: {  	_ = 	snop  }
0x7: {  	_ = 	snop  }
__scs_overlays_trampoline_lowered:
0x8: {  	[smem:$0x3FAB] =	sst s0  }
0x9: {  	[smem:$0x3FAC] =	sst s1  }
0xa: {  	[smem:$0x3FAD] =	sst s2  }
0xb: {  	[smem:$0x3FAE] =	sst s3  }
0xc: {  	[smem:$0x3FAF] =	sst s4  }
0xd: {  	[smem:$0x3FB0] =	sst s5  }
0xe: {  	[smem:$0x3FB1] =	sst s6  }
0xf: {  	[smem:$0x3FB2] =	sst s7  }
0x10: {  	[smem:$0x3FB3] =	sst s8  }
0x11: {  	[smem:$0x3FB4] =	sst s9;
	s0 =	simm.s32 @!p0 $0x0  }
0x12: {  	s1 =	sld [smem:$0x3F9A];
	s0 =	simm.s32 @p0 $0x1  }
0x13: {  	[smem:$0x3FB5] =	sst s0;
	s0 =	simm.s32 @!p1 $0x0  }
0x14: {  	s2 =	sld [smem:$0x3F99];
	s0 =	simm.s32 @p1 $0x1  }
0x15: {  	[smem:$0x3FB6] =	sst s0;
	s0 =	simm.s32 @!p2 $0x0  }
0x16: {  	s3 =	sld [smem:$0x3FDB];
	s0 =	simm.s32 @p2 $0x1  }
0x17: {  	s4 =	simm.s32 $0x1BF5;
	[smem:$0x3FB8] =	sst s0  }
0x18: {  	s0 =	sld [smem:$0x3F9B];
	_ =	swait.ge [sflag:s4], $0x0  }
0x19: {  	s7 =	sld [smem:$0x3F9C]  }
0x1a: {  	s8 =	sadd.s32 $0xFFFFE003, lr  }
0x1b: {  	s9 =	sadd.s32 $0xFFFFFEF7, lr;
	s5 =	simm.s32 $0xFFFFFFFF;
	p2 =	slt.u32 s8, $0xFFFFF086  }
0x1c: {  	p1 =	slt.u32 s9, $0xF7A;
	s5 =	simm.s32 @!p2 $0x0  }
0x1d: {  	s5 =	simm.s32 @p1 $0x1;
	p0 =	seq.s32 s7, s2  }
0x1e: {  	s7 =	smul.u32 @!p0 $0xF7A, s2;
	p2 =	seq.s32 @!p0 s5, $0x0  }
0x1f: {  	s9 =	smul.u32 $0xF7A, s1;
	s8 =	simm.s32 @!p0 $0x1BF5;
	p2 =	por !p2, p0  }
0x20: {  	[sflag:s8] =	ssyncset.s32 @!p0 $0xFFFFF086;
	s6 =	sadd.s32 @!p0 s3, s7;
	s7 =	simm.s32 @!p0 $0x108  }
0x21: {  	s3 =	sadd.s32 s3, s9;
	s6 =	sadd.s32 @!p0 $0x88, s6;
	s7 =	simm.s32 @p2 $0x1082  }
0x22: {  	[simem:s7], [sflag:s8] =	dma.local @!p0 [hbm:s6], $0xF7A  }
0x23: {  	s9 =	sor.u32 $0xD0000000, s2;
	s6 =	simm.s32 $0x108;
	_ =	swait.ge @!p0 [sflag:s8], $0x0  }
0x24: {  	s3 =	sadd.s32 $0x88, s3;
	s6 =	simm.s32 @!p1 $0x1082;
	[sflag:s4] =	ssyncset.s32 $0xFFFFF086  }
0x25: {  	[simem:s6], [sflag:s4] =	dma.local [hbm:s3], $0xF7A  }
0x26: {  	[smem:$0x3F9C] =	sst s1;
	(tag) =	ssettag s2;
	_ =	strace s9  }
0x27: {  	s1 =	sld [smem:$0x3FAC]  }
0x28: {  	s2 =	sld [smem:$0x3FAD]  }
0x29: {  	s4 =	sld [smem:$0x3FAF]  }
0x2a: {  	p0 =	seq.s32 s5, $0x0;
	s5 =	sld [smem:$0x3FB0]  }
0x2b: {  	s6 =	sld [smem:$0x3FB1]  }
0x2c: {  	s7 =	sld [smem:$0x3FB2]  }
0x2d: {  	s3 =	simm.s32 $0x108;
	s8 =	sld [smem:$0x3FB3]  }
0x2e: {  	s3 =	simm.s32 @!p0 $0x1082;
	s9 =	sld [smem:$0x3FB4]  }
0x2f: {  	lr =	sadd.s32 s0, s3;
	s0 =	sld [smem:$0x3FAB]  }
0x30: {  	s3 =	sld [smem:$0x3FAE]  }
0x31: {  	[smem:$0x3FB7] =	sst s10  }
0x32: {  	s10 =	sld [smem:$0x3FB5];
	_ =	sdelay $0x3  }
0x33: {  	p0 =	seq.s32 s10, $0x1;
	s10 =	sld [smem:$0x3FB7];
	_ =	sdelay $0x3  }
0x34: {  	[smem:$0x3FB7] =	sst s10  }
0x35: {  	s10 =	sld [smem:$0x3FB6];
	_ =	sdelay $0x3  }
0x36: {  	p1 =	seq.s32 s10, $0x1;
	s10 =	sld [smem:$0x3FB7];
	_ =	sdelay $0x3  }
0x37: {  	[smem:$0x3FB7] =	sst s10  }
0x38: {  	s10 =	sld [smem:$0x3FB8]  }
0x39: {  	_ = 	snop;
	(pc) =	sbr.ind lr, $3  }
0x3a: {  	_ = 	snop  }
0x3b: {  	_ = 	snop  }
0x3c: {  	p2 =	seq.s32 s10, $0x1;
	s10 =	sld [smem:$0x3FB7]  }
0x3d: {  	_ =	shalt  }
0x3e: {  	_ =	shalt  }
0x3f: {  	_ =	shalt  }
0x40: {  	_ =	shalt  }
0x41: {  	_ =	shalt  }
0x42: {  	_ =	shalt  }
0x43: {  	_ =	shalt  }
0x44: {  	_ =	shalt  }
0x45: {  	_ =	shalt  }
0x46: {  	_ =	shalt  }
0x47: {  	_ =	shalt  }
0x48: {  	_ =	shalt  }
0x49: {  	_ =	shalt  }
0x4a: {  	_ =	shalt  }
0x4b: {  	_ =	shalt  }
0x4c: {  	_ =	shalt  }
0x4d: {  	_ =	shalt  }
0x4e: {  	_ =	shalt  }
0x4f: {  	_ =	shalt  }
0x50: {  	_ =	shalt  }
0x51: {  	_ =	shalt  }
0x52: {  	_ =	shalt  }
0x53: {  	_ =	shalt  }
0x54: {  	_ =	shalt  }
0x55: {  	_ =	shalt  }
0x56: {  	_ =	shalt  }
0x57: {  	_ =	shalt  }
0x58: {  	_ =	shalt  }
0x59: {  	_ =	shalt  }
0x5a: {  	_ =	shalt  }
0x5b: {  	_ =	shalt  }
0x5c: {  	_ =	shalt  }
0x5d: {  	_ =	shalt  }
0x5e: {  	_ =	shalt  }
0x5f: {  	_ =	shalt  }
0x60: {  	_ =	shalt  }
0x61: {  	_ =	shalt  }
0x62: {  	_ =	shalt  }
0x63: {  	_ =	shalt  }
0x64: {  	_ =	shalt  }
0x65: {  	_ =	shalt  }
0x66: {  	_ =	shalt  }
0x67: {  	_ =	shalt  }
0x68: {  	_ =	shalt  }
0x69: {  	_ =	shalt  }
0x6a: {  	_ =	shalt  }
0x6b: {  	_ =	shalt  }
0x6c: {  	_ =	shalt  }
0x6d: {  	_ =	shalt  }
0x6e: {  	_ =	shalt  }
0x6f: {  	_ =	shalt  }
0x70: {  	_ =	shalt  }
0x71: {  	_ =	shalt  }
0x72: {  	_ =	shalt  }
0x73: {  	_ =	shalt  }
0x74: {  	_ =	shalt  }
0x75: {  	_ =	shalt  }
0x76: {  	_ =	shalt  }
0x77: {  	_ =	shalt  }
0x78: {  	_ =	shalt  }
0x79: {  	_ =	shalt  }
0x7a: {  	_ =	shalt  }
0x7b: {  	_ =	shalt  }
0x7c: {  	_ =	shalt  }
0x7d: {  	_ =	shalt  }
0x7e: {  	_ =	shalt  }
0x7f: {  	_ =	shalt  }
0x80: {  	_ =	shalt  }
0x81: {  	_ =	shalt  }
0x82: {  	_ =	shalt  }
0x83: {  	_ =	shalt  }
0x84: {  	_ =	shalt  }
0x85: {  	_ =	shalt  }
0x86: {  	_ =	shalt  }
0x87: {  	_ =	shalt  }
.Lfunc_end0:
.L_simem_size_0:
called_computation_lowered:
.L_overlay_start_0:
0x88: {  	s2 =	sld [smem:$0x3FD9]  }
0x89: {  	s3 =	sld [smem:$0x3FFE];
	_ =	sdelay $0x1  }
0x8a: {  	s1 =	srdreg.scid  }
0x8b: {  	s0 =	sand.u32 $0x1, s1  }
0x8c: {  	s17 =	sshll.u32 s0, $0xA;
	s2 =	sadd.s32 s3, s2  }
0x8d: {  	s2 =	sadd.s32 s2, s17  }
0x8e: {  	[smem:$0x3FC3] =	sst s2  }
0x8f: {  	_ = 	snop  }
0x90: {  	s2 =	sld [smem:$0x3FD0];
	(tm) =	ssettm $0x1  }
0x91: {  	s18 =	sld [smem:$0x3FFB];
	_ =	sdelay $0x3  }
0x92: {  	_ =	strace s18  }
0x93: {  	s3 =	sld [smem:$0x3FFC];
	_ =	sdelay $0x3  }
0x94: {  	_ =	strace s3  }
0x95: {  	s3 =	sld [smem:$0x3FFD];
	_ =	sdelay $0x3  }
0x96: {  	_ =	strace s3  }
0x97: {  	_ =	strace $0x8FFFFFFF  }
0x98: {  	s19 =	sld [smem:$0x3FDB];
	_ =	sdelay $0x1  }
0x99: {  	s4 =	simm.s32 $_scs_section_size  }
0x9a: {  	s5 =	simm.s32 $_size__tile_overlayer_lowered;
	s6 =	simm.s32 $_tile_overlayer_lowered  }
0x9b: {  	s22 =	simm.s32 $0x1BFF;
	s21 =	sshll.u32 s6, $0x1;
	s3 =	sadd.s32 s4, s19  }
0x9c: {  	s7 =	simm.s32 $0x0;
	s20 =	sshll.u32 s5, $0x1;
	s5 =	sadd.s32 s21, s3  }
0x9d: {  	[timem:s7], [sflag:s22] =	dma.local [hbm:s5], s20  }
0x9e: {  	_ =	swait.ge [sflag:s22], s20  }
0x9f: {  	s4 =	ssub.s32 $0x0, s20;
	[sflag:s22] =	ssyncset.done $0x0  }
0xa0: {  	[sflag:s22] =	ssyncadd.s32 s4;
	_ =	sdelay $0x1  }
0xa1: {  	s23 =	simm.s32 $0x1B8B  }
0xa2: {  	_ =	swait.ge [sflag:s23], $0x1  }
0xa3: {  	[sflag:s23] =	ssyncset.done $0x0  }
0xa4: {  	s25 =	simm.s32 $0x1B8E;
	s24 =	sld [smem:$0x3FFE];
	[sflag:s23] =	ssyncadd.s32 $0xFFFFFFFF  }
0xa5: {  	s26 =	simm.s32 $execute0_lowered;
	[smem:$0x3FD2] =	sst s25  }
0xa6: {  	s5 =	sshll.u32 s26, $0x1;
	_ =	strace $0x80000046;
	[dreg:$0x1] =	wrdreg $0xFFFFFFFF  }
0xa7: {  	s28 =	simm.s32 $_size_execute0_lowered;
	s3 =	sadd.s32 s3, s5;
	[dreg:$0x0] =	wrdreg $0x0  }
0xa8: {  	s5 =	sshll.u32 s28, $0x1;
	[dreg:$0x2] =	wrdreg s3  }
0xa9: {  	[dreg:$0x3] =	wrdreg s5  }
0xaa: {  	[dreg:$0x4] =	wrdreg $0xC0  }
0xab: {  	_ =	task [dreg:s7], $0x5FFFF  }
0xac: {  	[dreg:$0x1] =	wrdreg $0xFFFFFFFF  }
0xad: {  	[dreg:$0x0] =	wrdreg $0x60  }
0xae: {  	[dreg:$0x2] =	wrdreg s2  }
0xaf: {  	[dreg:$0x3] =	wrdreg s24  }
0xb0: {  	[dreg:$0x4] =	wrdreg $0x9  }
0xb1: {  	_ =	task.clear_ibuf [dreg:s7], $0x5FFFF;
	_ =	strace $0x90000046  }
0xb2: {  	s29 =	simm.s32 $0x9;
	_ =	strace $0x80000048  }
0xb3: {  	_ =	swait.ge [sflag:s29], $0x1  }
0xb4: {  	[sflag:s29] =	ssyncadd.s32 $0xFFFFFFFF  }
0xb5: {  	_ =	strace $0x90000048  }
0xb6: {  	_ =	sfence  }
0xb7: {  	s30 =	sld [smem:$0x0];
	_ =	sdelay $0x2  }
0xb8: {  	s31 =	sshll.u32 s1, $0xD;
	s1 =	sshrl.u32 s1, $0x2  }
0xb9: {  	s3 =	sand.u32 $0x4000, s31;
	s1 =	sadd.s32 s1, s30  }
0xba: {  	s0 =	sor.u32 s3, s0;
	s1 =	sshll.u32 s1, $0x11  }
0xbb: {  	s0 =	sor.u32 s1, s0  }
0xbc: {  	s0 =	sadd.s32 $0x8F2B, s0  }
0xbd: {  	[sflag:s0] =	ssyncadd.remote.s32 $0x1  }
0xbe: {  	_ =	sfence.sel $0xFFFF  }
0xbf: {  	[dreg:$0x0] =	wrdreg $0xFFFFFFFF;
	(pc) =	sbr.abs _section_cstart, $3  }
0xc0: {  	[dreg:$0x1] =	wrdreg $0xFFFFFFFF  }
0xc1: {  	_ =	task.clear_ibuf [dreg:s7], $0x2FFFF;
	_ =	strace $0x9FFFFFFF  }
0xc2: {  	(tm) =	ssettm $0x7FFFFFFF  }
0xc3: {  	_ =	shalt  }
tec
execute0_lowered:
.L_overlay_start_1:
0x0: {  	(tag) =	ssettag $0x1  }
0x1: {  	s3 =	rddreg [dreg:$0x0]  }
0x2: {  	s5 =	rddreg [dreg:$0x1];
	s2 =	srdreg.scid  }
0x3: {  	s0 =	rddreg [dreg:$0x2];
	s1 =	stileid.u32;
	s6 =	sand.u32 $0x1, s2  }
0x4: {  	s2 =	simm.s32 $0x0;
	s4 =	sshll.u32 s1, $0x5;
	s7 =	sshll.u32 s6, $0x4  }
0x5: {  	[smem:$0x7FF] =	sst s2;
	s7 =	sor.u32 s7, s4  }
0x6: {  	_ =	strace $0x80000047;
	s4 =	sadd.s32 s3, s7;
	s3 =	simm.s32 $0x1  }
0x7: {  	[tilespmem:s2], [sflag:$0x1] =	stream.linear.gather [hbm4b:s4+s2], $0x80, $0x38;
	[tilespmem:$0x100] =	vst v63  }
0x8: {  	_ =	swait.ge [sflag:s3], $0x80  }
0x9: {  	[sflag:s3] =	ssyncset.done $0x0  }
0xa: {  	[sflag:s3] =	ssyncadd.s32 $0xFFFFFF80  }
0xb: {  	v2 =	vld [tilespmem:$0x0];
	_ =	sdelay $0x4  }
0xc: {  	(xrf0) =	vmax.scan.msk.f32 $0xffff, v2;
	_ =	sdelay $0x5  }
0xd: {  	v0, _, _ =	vpop (xrf0)  }
0xe: {  	v3 =	vbroadcast v0, $0xF  }
0xf: {  	v0 =	vlaneseq.u32  }
0x10: {  	v1 =	vor.u32 $0x80000000, v0;
	vm0 =	veq.f32 v2, v3  }
0x11: {  	v4 =	vnsel vm0, $0x80000010, v1  }
0x12: {  	(xrf0) =	vmin.scan.msk.u32 $0xffff, v4;
	_ =	sdelay $0x5  }
0x13: {  	v4, _, _ =	vpop (xrf0)  }
0x14: {  	(v2sf) =	vpush v4, $0xF;
	_ =	sdelay $0xe  }
0x15: {  	s8 =	spop (v2sf)  }
0x16: {  	s8 =	sxor.u32 $0x80000000, s8  }
0x17: {  	v61 =	vmov s8  }
0x18: {  	vm14 =	veq.s32 v61, v0  }
0x19: {  	v2 =	vsel vm14, $0xF149F2CA, v2  }
0x1a: {  	(xrf0) =	vmax.scan.msk.f32 $0xffff, v2;
	_ =	sdelay $0x5  }
0x1b: {  	v62, _, _ =	vpop (xrf0)  }
0x1c: {  	v4 =	vbroadcast v62, $0xF;
	_ =	sdelay $0x1  }
0x1d: {  	vm1 =	veq.f32 v2, v4;
	v2 =	vsub.f32 v4, v3  }
0x1e: {  	v3 =	vnsel vm1, $0x80000010, v1  }
0x1f: {  	v2 =	vmul.f32 $1.442695020e+00, v2;
	(xrf0) =	vmin.scan.msk.u32 $0xffff, v3;
	_ =	sdelay $0x1  }
0x20: {  	(erf) = vpow2.f32 v2;
	_ =	sdelay $0x3  }
0x21: {  	v2, _, _ =	vpop (xrf0)  }
0x22: {  	(v2sf) =	vpush v2, $0xF;
	_ =	sdelay $0x3  }
0x23: {  	v2 =	vpop (erf)  }
0x24: {  	v3 =	vadd.f32 $1.000000000e+00, v2;
	_ =	sdelay $0x1  }
0x25: {  	(erf) = vrcp.f32 v3;
	_ =	sdelay $0x7  }
0x26: {  	s29 =	spop (v2sf)  }
0x27: {  	s6 =	ssub.s32 $0x2, s6;
	s8 =	sxor.u32 $0x80000000, s29;
	v3 =	vpop (erf)  }
0x28: {  	s30 =	sshrl.u32 s6, $0x1;
	v63 =	vmov s8;
	v2 =	vmul.f32 v3, v2  }
0x29: {  	s6 =	ssub.s32 s6, s30;
	vm15 =	veq.s32 v63, v0  }
0x2a: {  	s31 =	smax.u32 s6, $0x1;
	v3 =	vnsel vm14, $0x0, v3;
	v2 =	vnsel vm15, $0x0, v2  }
0x2b: {  	p0 =	sne.s32 s31, $0x1;
	v2 =	vadd.f32 v2, v3  }
.Ltmp0:
0x2c: {  	s5 =	sadd.s32 s7, s5;
	(pc) =	sbr.rel @!p0 .LBB2_2-.Ltmp0, $4  }
0x2d: {  	s5 =	sadd.s32 $0xA00, s5;
	s6 =	simm.s32 $0x80;
	[tilespmem:$0x80] =	vst v2  }
0x2e: {  	[hbm4b:s5+s2] =	stream.linear.scatter [tilespmem:s6], [sflag:$0x1], $0x80, $0x38;
	[tilespmem:$0x100] =	vst v63  }
0x2f: {  	_ =	swait.ge [sflag:s3], $0x80  }
0x30: {  	s7 =	sadd.s32 $0xFFFFFFFF, s31;
	[sflag:s3] =	ssyncset.done $0x0  }
.LBB2_1:
0x31: {  	p0 =	sne.s32 s7, $0x1;
	s7 =	sadd.s32 $0xFFFFFFFF, s7;
	[sflag:s3] =	ssyncadd.s32 $0xFFFFFF80  }
0x32: {  	[tilespmem:s2], [sflag:$0x1] =	stream.linear.gather [hbm4b:s4+s2], $0x80, $0x38;
	[tilespmem:$0x100] =	vst v63  }
0x33: {  	_ =	swait.ge [sflag:s3], $0x80  }
0x34: {  	[sflag:s3] =	ssyncset.done $0x0  }
0x35: {  	[sflag:s3] =	ssyncadd.s32 $0xFFFFFF80  }
0x36: {  	v2 =	vld [tilespmem:$0x0];
	_ =	sdelay $0x4  }
0x37: {  	(xrf0) =	vmax.scan.msk.f32 $0xffff, v2;
	_ =	sdelay $0x5  }
0x38: {  	v3, _, _ =	vpop (xrf0)  }
0x39: {  	v3 =	vbroadcast v3, $0xF;
	_ =	sdelay $0x1  }
0x3a: {  	vm0 =	veq.f32 v2, v3  }
0x3b: {  	v4 =	vnsel vm0, $0x80000010, v1  }
0x3c: {  	(xrf0) =	vmin.scan.msk.u32 $0xffff, v4;
	_ =	sdelay $0x5  }
0x3d: {  	v4, _, _ =	vpop (xrf0)  }
0x3e: {  	(v2sf) =	vpush v4, $0xF;
	_ =	sdelay $0xe  }
0x3f: {  	s8 =	spop (v2sf)  }
0x40: {  	s8 =	sxor.u32 $0x80000000, s8  }
0x41: {  	v4 =	vmov s8  }
0x42: {  	vm0 =	veq.s32 v4, v0  }
0x43: {  	v2 =	vsel vm0, $0xF149F2CA, v2  }
0x44: {  	(xrf0) =	vmax.scan.msk.f32 $0xffff, v2;
	_ =	sdelay $0x5  }
0x45: {  	v4, _, _ =	vpop (xrf0)  }
0x46: {  	v4 =	vbroadcast v4, $0xF;
	_ =	sdelay $0x1  }
0x47: {  	vm1 =	veq.f32 v2, v4;
	v2 =	vsub.f32 v4, v3  }
0x48: {  	v3 =	vnsel vm1, $0x80000010, v1  }
0x49: {  	v2 =	vmul.f32 $1.442695020e+00, v2;
	(xrf0) =	vmin.scan.msk.u32 $0xffff, v3;
	_ =	sdelay $0x1  }
0x4a: {  	(erf) = vpow2.f32 v2;
	_ =	sdelay $0x3  }
0x4b: {  	v2, _, _ =	vpop (xrf0)  }
0x4c: {  	(v2sf) =	vpush v2, $0xF;
	_ =	sdelay $0x3  }
0x4d: {  	v2 =	vpop (erf)  }
0x4e: {  	v3 =	vadd.f32 $1.000000000e+00, v2;
	_ =	sdelay $0x1  }
0x4f: {  	(erf) = vrcp.f32 v3;
	_ =	sdelay $0x7  }
0x50: {  	s8 =	spop (v2sf)  }
0x51: {  	s8 =	sxor.u32 $0x80000000, s8;
	v3 =	vpop (erf)  }
0x52: {  	v4 =	vmov s8;
	v2 =	vmul.f32 v3, v2;
	v3 =	vnsel vm0, $0x0, v3  }
0x53: {  	vm0 =	veq.s32 v4, v0  }
0x54: {  	v2 =	vnsel vm0, $0x0, v2  }
0x55: {  	v2 =	vadd.f32 v2, v3  }
.Ltmp1:
0x56: {  	(pc) =	sbr.rel @p0 .LBB2_1-.Ltmp1, $4  }
0x57: {  	[tilespmem:$0x80] =	vst v2  }
0x58: {  	[hbm4b:s5+s2] =	stream.linear.scatter [tilespmem:s6], [sflag:$0x1], $0x80, $0x38;
	[tilespmem:$0x100] =	vst v63  }
0x59: {  	_ =	swait.ge [sflag:s3], $0x80  }
0x5a: {  	[sflag:s3] =	ssyncset.done $0x0  }
.LBB2_2:
0x5b: {  	[sflag:s3] =	ssyncadd.s32 $0xFFFFFF80  }
0x5c: {  	_ =	sfence.sel $0x180000  }
0x5d: {  	[bflag:$0x0] =	sbarrier.arrive $0xFFFF  }
0x5e: {  	p0 =	sne.s32 s1, $0x0;
	_ =	strace $0x90000047  }
0x5f: {  	s0 =	sadd.s32 @!p0 $0x100000, s0;
	[bflag:$0x2] =	sbarrier.arrive $0xFFFF  }
0x60: {  	[sflag:s0] =	ssyncadd.tile.s32 @!p0 $0x1;
	_ =	shalt  }
.Lfunc_end2:
_tile_overlayer_lowered:
.L_overlay_start_2:
0x61: {  	(tag) =	ssettag $0x2  }
0x62: {  	s0 =	rddreg [dreg:$0x0];
	s2 =	stileid.u32  }
0x63: {  	s1 =	rddreg [dreg:$0x1];
	p0 =	sne.s32 s2, $0x0  }
0x64: {  	s3 =	rddreg [dreg:$0x2];
	[bflag:$0x3] =	sbarrier.arrive $0xFFFF;
	s2 =	simm.s32 @!p0 $0x1C01  }
0x65: {  	[timem:s3], [sflag:s2] =	dma.local @!p0 [hbm:s0], s1  }
0x66: {  	s0 =	simm.s32 @!p0 $0x1  }
0x67: {  	_ =	swait.ge @!p0 [sflag:s0], s1  }
0x68: {  	s1 =	ssub.s32 @!p0 $0x0, s1;
	[sflag:s0] =	ssyncset.done @!p0 $0x0  }
0x69: {  	[sflag:s0] =	ssyncadd.s32 @!p0 s1  }
0x6a: {  	[bflag:$0x3] =	sbarrier.arrive $0xFFFF  }
0x6b: {  	_ =	shalt  }

</sc_bundles>
